<compile_context>
chip_gen: v7x
topology: tpu7x:2x2x1
jax: 0.10.2.dev20260603
libtpu: 0.0.44.dev20260713+nightly
codegen_flags: <defaults>
</compile_context>

<pallas_src>
import functools

import jax
import jax.lax as lax
import jax.numpy as jnp
from jax.experimental import pallas as pl
from jax.experimental.pallas import tpu as pltpu
from jax.experimental.pallas import tpu_sc as plsc

N = 10000
E = 160000
L = 320000
B = 256
D = 128
ED = 6
NITER = 4

CH = 8192
NCHUNK = 20
EPAD = CH * NCHUNK
CPC = NCHUNK // 2
KBLK = 128
NSUB = 16
RPS = CH // NSUB
BPS = RPS // KBLK

@functools.cache
def _sc_mesh():
    return plsc.VectorSubcoreMesh(core_axis_name="c", subcore_axis_name="s",
                                  num_cores=2, num_subcores=NSUB)


def _pre_node_body(x_ref, wmlp_ref, bmlp_ref, wu_ref, wv_ref,
                   h_ref, eu_ref, ev_ref):
    h = jnp.dot(x_ref[...], wmlp_ref[...],
                preferred_element_type=jnp.float32) + bmlp_ref[...]
    h_ref[...] = h
    third = jnp.float32(1.0 / 3.0)
    eu_ref[...] = jnp.dot(h, wu_ref[...],
                          preferred_element_type=jnp.float32) * third
    ev_ref[...] = jnp.dot(h, wv_ref[...],
                          preferred_element_type=jnp.float32) * third


def _pre_node(x, W_mlp, b_mlp, W_u, W_v):
    blk = 1000
    return pl.pallas_call(
        _pre_node_body,
        grid=(N // blk,),
        in_specs=[
            pl.BlockSpec((blk, D), lambda i: (i, 0)),
            pl.BlockSpec((D, D), lambda i: (0, 0)),
            pl.BlockSpec((1, D), lambda i: (0, 0)),
            pl.BlockSpec((D, D), lambda i: (0, 0)),
            pl.BlockSpec((D, D), lambda i: (0, 0)),
        ],
        out_specs=[
            pl.BlockSpec((blk, D), lambda i: (i, 0)),
            pl.BlockSpec((blk, D), lambda i: (i, 0)),
            pl.BlockSpec((blk, D), lambda i: (i, 0)),
        ],
        out_shape=[jax.ShapeDtypeStruct((N, D), jnp.float32)] * 3,
    )(x, W_mlp, b_mlp.reshape(1, D), W_u, W_v)


def _pre_edge_body(ea_ref, we_ref, euv_ref):
    euv_ref[...] = jnp.dot(ea_ref[...], we_ref[...],
                           preferred_element_type=jnp.float32) * jnp.float32(1.0 / 3.0)


def _pre_edge(edge_attr, W_edge):
    blk = 2048
    ea = jnp.pad(edge_attr, ((0, EPAD - E), (0, 8 - ED)))
    we = jnp.pad(W_edge, ((0, 8 - ED), (0, 0)))
    return pl.pallas_call(
        _pre_edge_body,
        grid=(EPAD // blk,),
        in_specs=[
            pl.BlockSpec((blk, 8), lambda i: (i, 0)),
            pl.BlockSpec((8, D), lambda i: (0, 0)),
        ],
        out_specs=pl.BlockSpec((blk, D), lambda i: (i, 0)),
        out_shape=jax.ShapeDtypeStruct((EPAD, D), jnp.float32),
    )(ea, we)


def _final_body(xo_ref, w_ref, b_ref, o_ref):
    o_ref[...] = jnp.dot(xo_ref[...], w_ref[...],
                         preferred_element_type=jnp.float32) + b_ref[...]


def _final_linear(xo_pad, W_lb, b_lb):
    blk = 1000
    return pl.pallas_call(
        _final_body,
        grid=(N // blk,),
        in_specs=[
            pl.BlockSpec((blk, D), lambda i: (i, 0)),
            pl.BlockSpec((D, D), lambda i: (0, 0)),
            pl.BlockSpec((1, D), lambda i: (0, 0)),
        ],
        out_specs=pl.BlockSpec((blk, D), lambda i: (i, 0)),
        out_shape=jax.ShapeDtypeStruct((N, D), jnp.float32),
    )(xo_pad, W_lb, b_lb.reshape(1, D))


def _e0_body(table, gidx_blocks, iota_rows, init, out,
             acc, idx_v, ldst_v, rows_v, sem):
    core = lax.axis_index("c")
    s = lax.axis_index("s")
    pltpu.sync_copy(iota_rows.at[pl.ds(s * BPS, BPS)], ldst_v)

    def chunk_body(cb, carry):
        b = core * CPC + cb
        row0 = b * CH + s * RPS
        pltpu.sync_copy(init.at[pl.ds(row0, RPS)], acc.at[pl.ds(s * RPS, RPS)])
        plsc.subcore_barrier()

        def part_body(p, carry2):
            def blk_body(jj, carry3):
                blkrow = p * (EPAD // KBLK) + b * (CH // KBLK) + s * BPS + jj
                pltpu.sync_copy(gidx_blocks.at[blkrow], idx_v)
                pltpu.async_copy(table.at[idx_v], rows_v, sem).wait()
                pltpu.sync_copy(rows_v, acc.at[ldst_v.at[jj]], add=True)
                return carry3
            return lax.fori_loop(0, BPS, blk_body, carry2)

        lax.fori_loop(0, 2, part_body, 0)
        plsc.subcore_barrier()
        pltpu.sync_copy(acc.at[pl.ds(s * RPS, RPS)], out.at[pl.ds(row0, RPS)])
        plsc.subcore_barrier()
        return carry

    lax.fori_loop(0, CPC, chunk_body, 0)


@functools.partial(jax.jit, static_argnames=())
def _sc_e0(table, gidx_blocks, iota_rows, init):
    return pl.kernel(
        _e0_body,
        out_type=jax.ShapeDtypeStruct((EPAD, D), jnp.float32),
        mesh=_sc_mesh(),
        scratch_types=[
            pltpu.VMEM_SHARED((CH, D), jnp.float32),
            pltpu.VMEM((KBLK,), jnp.int32),
            pltpu.VMEM((BPS, KBLK), jnp.int32),
            pltpu.VMEM((KBLK, D), jnp.float32),
            pltpu.SemaphoreType.DMA,
        ],
    )(table, gidx_blocks, iota_rows, init)


def _make_count(total, nbuckets, cblk):
    per_w = total // 32
    nload = per_w // cblk

    def body(keys, out, cnt_v, buf):
        core = lax.axis_index("c")
        s = lax.axis_index("s")
        wid = s * 2 + core
        zeros16 = jnp.zeros((16,), jnp.int32)
        for b in range(nbuckets):
            cnt_v[pl.ds(b * 16, 16)] = zeros16

        def load_body(c5, carry):
            pltpu.sync_copy(keys.at[pl.ds(wid * per_w + c5 * cblk, cblk)], buf)

            def vec_body(k, carry2):
                dv = buf[pl.ds(k * 16, 16)]
                cid = lax.shift_right_logical(dv, 13)
                for b in range(nbuckets):
                    cnt_v[pl.ds(b * 16, 16)] = (
                        cnt_v[pl.ds(b * 16, 16)]
                        + jnp.where(cid == b, 1, 0))
                return carry2

            return lax.fori_loop(0, cblk // 16, vec_body, carry)

        lax.fori_loop(0, nload, load_body, 0)
        pltpu.sync_copy(cnt_v, out.at[wid])

    def run(keys):
        lanes = pl.kernel(
            body,
            out_type=jax.ShapeDtypeStruct((32, nbuckets * 16), jnp.int32),
            mesh=_sc_mesh(),
            scratch_types=[
                pltpu.VMEM((nbuckets * 16,), jnp.int32),
                pltpu.VMEM((cblk,), jnp.int32),
            ],
        )(keys)
        counts = lanes.reshape(32, nbuckets, 16).sum(-1)
        return jnp.zeros((32, 32), jnp.int32).at[:, :nbuckets].set(counts)

    return run


_count_lg = _make_count(L, NCHUNK, 2000)
_count_e = _make_count(EPAD, 2, 2560)


def _make_fill(total, nbuckets, payload_iota, dummy1, dummy2, shift2_thresh, cblk):
    per_w = total // 32
    nload = per_w // cblk
    ncapb = total // KBLK + 32 * nbuckets

    def body(keys, payload, starts_w, o_src, o_d1, o_d2,
             rowbuf, posblk_v, fill_v,
             stg_s, stg_1, stg_2, kbuf, pbuf):
        core = lax.axis_index("c")
        s = lax.axis_index("s")
        wid = s * 2 + core
        pltpu.sync_copy(starts_w.at[wid], rowbuf)
        st_lo = rowbuf[pl.ds(0, 16)]
        st_hi = rowbuf[pl.ds(16, 16)]
        for b in range(nbuckets):
            stv = st_lo[b] if b < 16 else st_hi[b - 16]
            posblk_v[b] = stv
            fill_v[b] = 0

        dummy_s = jnp.zeros((16,), jnp.int32)
        dummy_1 = jnp.full((16,), dummy1, jnp.int32)
        dummy_2 = jnp.full((16,), dummy2, jnp.int32)

        SW = KBLK + 16

        def flush(b, pos):
            pltpu.sync_copy(stg_s.at[pl.ds(b * SW, KBLK)],
                            o_src.at[pl.ds(pos * KBLK, KBLK)])
            pltpu.sync_copy(stg_1.at[pl.ds(b * SW, KBLK)],
                            o_d1.at[pl.ds(pos * KBLK, KBLK)])
            pltpu.sync_copy(stg_2.at[pl.ds(b * SW, KBLK)],
                            o_d2.at[pl.ds(pos * KBLK, KBLK)])

        def load_body(c5, carry):
            off = wid * per_w + c5 * cblk
            pltpu.sync_copy(keys.at[pl.ds(off, cblk)], kbuf)
            if not payload_iota:
                pltpu.sync_copy(payload.at[pl.ds(off, cblk)], pbuf)

            def vec_body(k, carry2):
                dv = kbuf[pl.ds(k * 16, 16)]
                if payload_iota:
                    pv = lax.iota(jnp.int32, 16) + (off + k * 16)
                else:
                    pv = pbuf[pl.ds(k * 16, 16)]
                cid = lax.shift_right_logical(dv, 13)
                l1 = dv - lax.shift_left(cid, 13)
                l2 = jnp.where(cid >= shift2_thresh,
                               dv - shift2_thresh * CH, dv)
                lane = lax.iota(jnp.int32, 16)
                for b in range(nbuckets):
                    msk = cid == b
                    cntv = jnp.where(msk, 1, 0)
                    for sh in (8, 4, 2, 1):
                        cntv = cntv + cntv.at[lane ^ sh].get(
                            mode="promise_in_bounds")
                    cnt = cntv[0]

                    @pl.when(cnt > 0)
                    def _():
                        fill = fill_v[b]
                        o = b * SW + fill
                        plsc.store_compressed(stg_s.at[pl.ds(o, 16)], pv, mask=msk)
                        plsc.store_compressed(stg_1.at[pl.ds(o, 16)], l1, mask=msk)
                        plsc.store_compressed(stg_2.at[pl.ds(o, 16)], l2, mask=msk)
                        nf = fill + cnt

                        @pl.when(nf >= KBLK)
                        def _():
                            flush(b, posblk_v[b])
                            posblk_v[b] = posblk_v[b] + 1
                            tail_s = stg_s[pl.ds(b * SW + KBLK, 16)]
                            tail_1 = stg_1[pl.ds(b * SW + KBLK, 16)]
                            tail_2 = stg_2[pl.ds(b * SW + KBLK, 16)]
                            stg_s[pl.ds(b * SW, 16)] = tail_s
                            stg_1[pl.ds(b * SW, 16)] = tail_1
                            stg_2[pl.ds(b * SW, 16)] = tail_2

                        fill_v[b] = lax.rem(nf, jnp.int32(KBLK))
                return carry2

            return lax.fori_loop(0, cblk // 16, vec_body, carry)

        lax.fori_loop(0, nload, load_body, 0)

        for b in range(nbuckets):
            fill = fill_v[b]

            @pl.when(fill > 0)
            def _():
                def pad_body(j, carry3):
                    pos = fill + j * 16

                    @pl.when(pos < KBLK)
                    def _():
                        stg_s[pl.ds(b * SW + pos, 16)] = dummy_s
                        stg_1[pl.ds(b * SW + pos, 16)] = dummy_1
                        stg_2[pl.ds(b * SW + pos, 16)] = dummy_2

                    return carry3

                lax.fori_loop(0, 8, pad_body, 0)
                flush(b, posblk_v[b])

    def run(keys, payload, starts_w):
        return pl.kernel(
            body,
            out_type=[jax.ShapeDtypeStruct((ncapb * KBLK,), jnp.int32)] * 3,
            mesh=_sc_mesh(),
            compiler_params=pltpu.CompilerParams(needs_layout_passes=False),
            scratch_types=[
                pltpu.VMEM((32,), jnp.int32),
                pltpu.SMEM((32,), jnp.int32),
                pltpu.SMEM((32,), jnp.int32),
                pltpu.VMEM((nbuckets * (KBLK + 16),), jnp.int32),
                pltpu.VMEM((nbuckets * (KBLK + 16),), jnp.int32),
                pltpu.VMEM((nbuckets * (KBLK + 16),), jnp.int32),
                pltpu.VMEM((cblk,), jnp.int32),
                pltpu.VMEM((cblk,), jnp.int32),
            ],
        )(keys, payload, starts_w)

    return run


_fill_lg = _make_fill(L, NCHUNK, False, CH, CPC * CH, CPC, 2000)
_fill_e = _make_fill(EPAD, 2, True, CH, CH, 1, 2560)


def _make_msg(cpc, out_rows):
    def body(table, init, meta_nb, meta_st, bsrc_b, bldst_b, out,
             acc, mrow, idx_v0, idx_v1, ldst_v0, ldst_v1, rows_v0, rows_v1,
             gsem, ssem0, ssem1):
        core = lax.axis_index("c")
        s = lax.axis_index("s")
        wid = s * 2 + core
        pltpu.sync_copy(meta_nb.at[wid], mrow)
        nb_lo = mrow[pl.ds(0, 16)]
        nb_hi = mrow[pl.ds(16, 16)]
        pltpu.sync_copy(meta_st.at[wid], mrow)
        st_lo = mrow[pl.ds(0, 16)]
        st_hi = mrow[pl.ds(16, 16)]
        for cb in range(cpc):
            b = core * cpc + cb
            row0 = b * CH + s * RPS
            pltpu.sync_copy(init.at[pl.ds(row0, RPS)],
                            acc.at[pl.ds(s * RPS, RPS)])
            plsc.subcore_barrier()
            for tt in range(2):
                k = cb * 2 + tt
                nblk = nb_lo[k] if k < 16 else nb_hi[k - 16]
                st = st_lo[k] if k < 16 else st_hi[k - 16]

                def pair_body(jj, carry, st=st):
                    j0 = st + jj * 2
                    pltpu.sync_copy(bsrc_b.at[pl.ds(j0 * KBLK, KBLK)], idx_v0)
                    pltpu.sync_copy(bldst_b.at[pl.ds(j0 * KBLK, KBLK)],
                                    ldst_v0)
                    g0 = pltpu.async_copy(table.at[idx_v0], rows_v0, gsem)
                    pltpu.sync_copy(bsrc_b.at[pl.ds((j0 + 1) * KBLK, KBLK)],
                                    idx_v1)
                    pltpu.sync_copy(bldst_b.at[pl.ds((j0 + 1) * KBLK, KBLK)],
                                    ldst_v1)
                    g0.wait()
                    s0 = pltpu.async_copy(rows_v0, acc.at[ldst_v0], ssem0,
                                          add=True)
                    g1 = pltpu.async_copy(table.at[idx_v1], rows_v1, gsem)
                    g1.wait()
                    s0.wait()
                    s1 = pltpu.async_copy(rows_v1, acc.at[ldst_v1], ssem1,
                                          add=True)
                    s1.wait()
                    return carry

                lax.fori_loop(0, nblk // 2, pair_body, 0)

                @pl.when(lax.rem(nblk, 2) == 1)
                def _(st=st, nblk=nblk):
                    j = st + nblk - 1
                    pltpu.sync_copy(bsrc_b.at[pl.ds(j * KBLK, KBLK)], idx_v0)
                    pltpu.sync_copy(bldst_b.at[pl.ds(j * KBLK, KBLK)], ldst_v0)
                    pltpu.async_copy(table.at[idx_v0], rows_v0, gsem).wait()
                    pltpu.sync_copy(rows_v0, acc.at[ldst_v0], add=True)
            plsc.subcore_barrier()
            pltpu.sync_copy(acc.at[pl.ds(s * RPS, RPS)],
                            out.at[pl.ds(row0, RPS)])
            plsc.subcore_barrier()

    def run(table, init, meta_nb, meta_st, bsrc_b, bldst_b):
        return pl.kernel(
            body,
            out_type=jax.ShapeDtypeStruct((out_rows, D), jnp.float32),
            mesh=_sc_mesh(),
            scratch_types=[
                pltpu.VMEM_SHARED((CH + 8, D), jnp.float32),
                pltpu.VMEM((32,), jnp.int32),
                pltpu.VMEM((KBLK,), jnp.int32),
                pltpu.VMEM((KBLK,), jnp.int32),
                pltpu.VMEM((KBLK,), jnp.int32),
                pltpu.VMEM((KBLK,), jnp.int32),
                pltpu.VMEM((KBLK, D), jnp.float32),
                pltpu.VMEM((KBLK, D), jnp.float32),
                pltpu.SemaphoreType.DMA,
                pltpu.SemaphoreType.DMA,
                pltpu.SemaphoreType.DMA,
            ],
        )(table, init, meta_nb, meta_st, bsrc_b, bldst_b)

    return run


_msg_lg = _make_msg(CPC, EPAD)
_msg_fin = _make_msg(1, 2 * CH)


def _route_meta(counts, nbuckets, cpc):
    caps = (counts + 127) // KBLK
    capsT = caps.T[:nbuckets]
    flat = capsT.reshape(-1)
    starts_flat = jnp.cumsum(flat) - flat
    starts_bw = starts_flat.reshape(nbuckets, 32)
    starts_w = jnp.zeros((32, 32), jnp.int32).at[:, :nbuckets].set(
        starts_bw.T.astype(jnp.int32))
    w = jnp.arange(32)
    kk = jnp.arange(2 * cpc)
    cb = kk // 2
    tt = kk % 2
    t_idx = 2 * (w[:, None] // 2) + tt[None, :]
    b_idx = (w[:, None] % 2) * cpc + cb[None, :]
    meta_nb = jnp.zeros((32, 32), jnp.int32).at[:, :2 * cpc].set(
        caps[t_idx, b_idx].astype(jnp.int32))
    meta_st = jnp.zeros((32, 32), jnp.int32).at[:, :2 * cpc].set(
        starts_bw[b_idx, t_idx].astype(jnp.int32))
    return starts_w, meta_nb, meta_st


PBLK = 2000
NPB = E // PBLK
NEG = -3.0e38


def _matvec_body(o_ref, w_ref, rs_ref):
    rs_ref[...] = jnp.dot(o_ref[...], w_ref[...],
                          preferred_element_type=jnp.float32)


def _matvec(out_pad, Wcat):
    return pl.pallas_call(
        _matvec_body,
        grid=(EPAD // 2048,),
        in_specs=[
            pl.BlockSpec((2048, D), lambda i: (i, 0)),
            pl.BlockSpec((D, 16), lambda i: (0, 0)),
        ],
        out_specs=pl.BlockSpec((2048, 16), lambda i: (i, 0)),
        out_shape=jax.ShapeDtypeStruct((EPAD, 16), jnp.float32),
    )(out_pad, Wcat)


def _xc_oh(rs_ref, rs1_ref, rse_ref, b_ref):
    xc = rs_ref[:, 0] + rs1_ref[:, 1] - rse_ref[:, 1]
    bb = b_ref[0, 0, :]
    oh = (bb[:, None]
          == jax.lax.broadcasted_iota(jnp.int32, (PBLK, B), 1))
    return xc, oh


def _pmax_body(rs_ref, rs1_ref, rse_ref, b_ref, m_ref):
    i = pl.program_id(0)
    xc, oh = _xc_oh(rs_ref, rs1_ref, rse_ref, b_ref)

    @pl.when(i == 0)
    def _():
        m_ref[...] = jnp.full((1, B), NEG, jnp.float32)

    mp = jnp.max(jnp.where(oh, xc[:, None], NEG), axis=0)
    m_ref[...] = jnp.maximum(m_ref[...], mp[None, :])


def _pden_body(rs_ref, rs1_ref, rse_ref, b_ref, m_ref, den_ref):
    i = pl.program_id(0)
    xc, oh = _xc_oh(rs_ref, rs1_ref, rse_ref, b_ref)

    @pl.when(i == 0)
    def _():
        den_ref[...] = jnp.zeros((1, B), jnp.float32)

    mb = jnp.max(jnp.where(oh, m_ref[...], NEG), axis=1)
    ex = jnp.exp(xc - mb)
    dp = jnp.sum(jnp.where(oh, ex[:, None], 0.0), axis=0)
    den_ref[...] = den_ref[...] + dp[None, :]


def _pgx_body(rs_ref, rs1_ref, rse_ref, b_ref, m_ref, den_ref, o_ref,
              wg_ref, bg_ref, gx_ref, gout_ref):
    i = pl.program_id(0)
    xc, oh = _xc_oh(rs_ref, rs1_ref, rse_ref, b_ref)

    @pl.when(i == 0)
    def _():
        gx_ref[...] = jnp.zeros((B, D), jnp.float32)

    mb = jnp.max(jnp.where(oh, m_ref[...], NEG), axis=1)
    db = jnp.sum(jnp.where(oh, den_ref[...], 0.0), axis=1)
    sc = jnp.exp(xc - mb) / db
    w = o_ref[...] * sc[:, None]
    gxp = jax.lax.dot_general(oh.astype(jnp.float32), w,
                              (((0,), (0,)), ((), ())),
                              preferred_element_type=jnp.float32)
    gx_ref[...] = gx_ref[...] + gxp

    @pl.when(i == NPB - 1)
    def _():
        gout_ref[...] = jnp.tanh(
            jnp.dot(gx_ref[...], wg_ref[...],
                    preferred_element_type=jnp.float32) + bg_ref[...])


def _pool(rs_n, rs_n1, rs_e0, batch3d, out_pad, W_gout, b_gout):
    rspec = pl.BlockSpec((PBLK, 16), lambda i: (i, 0))
    bspec = pl.BlockSpec((1, 1, PBLK), lambda i: (i, 0, 0))
    full = pl.BlockSpec((1, B), lambda i: (0, 0))
    m = pl.pallas_call(
        _pmax_body,
        grid=(NPB,),
        in_specs=[rspec, rspec, rspec, bspec],
        out_specs=full,
        out_shape=jax.ShapeDtypeStruct((1, B), jnp.float32),
    )(rs_n, rs_n1, rs_e0, batch3d)
    den = pl.pallas_call(
        _pden_body,
        grid=(NPB,),
        in_specs=[rspec, rspec, rspec, bspec, full],
        out_specs=full,
        out_shape=jax.ShapeDtypeStruct((1, B), jnp.float32),
    )(rs_n, rs_n1, rs_e0, batch3d, m)
    _, gout = pl.pallas_call(
        _pgx_body,
        grid=(NPB,),
        in_specs=[rspec, rspec, rspec, bspec, full, full,
                  pl.BlockSpec((PBLK, D), lambda i: (i, 0)),
                  pl.BlockSpec((D, D), lambda i: (0, 0)),
                  pl.BlockSpec((1, D), lambda i: (0, 0))],
        out_specs=[pl.BlockSpec((B, D), lambda i: (0, 0))] * 2,
        out_shape=[jax.ShapeDtypeStruct((B, D), jnp.float32)] * 2,
    )(rs_n, rs_n1, rs_e0, batch3d, m, den, out_pad, W_gout,
      b_gout.reshape(1, D))
    return gout


def _scores_body(g0, g1, g2, g3, a_ref, ab_ref, s_ref):
    cols = []
    for n, g in enumerate((g0, g1, g2, g3)):
        sn = jnp.sum(g[...] * a_ref[:, n][None, :], axis=1) + ab_ref[0, n]
        cols.append(sn[:, None])
    S = jnp.concatenate(cols, axis=1)
    mx = jnp.max(S, axis=1, keepdims=True)
    ex = jnp.exp(S - mx)
    P = ex / jnp.sum(ex, axis=1, keepdims=True)
    s_ref[...] = jnp.concatenate(
        [P, jnp.zeros((B, 4), jnp.float32)], axis=1)


def _scores(gouts, a, a_bias):
    gspec = pl.BlockSpec((B, D), lambda: (0, 0))
    return pl.pallas_call(
        _scores_body,
        grid=(),
        in_specs=[gspec, gspec, gspec, gspec,
                  pl.BlockSpec((D, 4), lambda: (0, 0)),
                  pl.BlockSpec((1, 4), lambda: (0, 0))],
        out_specs=pl.BlockSpec((B, 8), lambda: (0, 0)),
        out_shape=jax.ShapeDtypeStruct((B, 8), jnp.float32),
    )(*gouts, a.reshape(D, NITER), a_bias.reshape(1, NITER))


def _fin_body(o0, o1, o2, o3, b_ref, s_ref, of_ref):
    bb = b_ref[0, 0, :]
    oh = (bb[:, None]
          == jax.lax.broadcasted_iota(jnp.int32, (PBLK, B), 1))
    se = jax.lax.dot_general(oh.astype(jnp.float32), s_ref[...],
                             (((1,), (0,)), ((), ())),
                             preferred_element_type=jnp.float32)
    acc = o0[...] * se[:, 0][:, None]
    for n, o in enumerate((o1, o2, o3)):
        acc = acc + o[...] * se[:, n + 1][:, None]
    of_ref[...] = acc


def _fin(outs, batch3d, scores):
    ospec = pl.BlockSpec((PBLK, D), lambda i: (i, 0))
    return pl.pallas_call(
        _fin_body,
        grid=(NPB,),
        in_specs=[ospec, ospec, ospec, ospec,
                  pl.BlockSpec((1, 1, PBLK), lambda i: (i, 0, 0)),
                  pl.BlockSpec((B, 8), lambda i: (0, 0))],
        out_specs=ospec,
        out_shape=jax.ShapeDtypeStruct((EPAD, D), jnp.float32),
    )(*outs, batch3d, scores)


def kernel(x, edge_attr, edge_index, line_graph_edge_index, edge_index_batch,
           W_mlp, b_mlp, W_u, W_v, W_edge, W_att_root, W_att_rel, b_att, a,
           W_gout, b_gout, a_bias, W_lb, b_lb):
    h, eu3, ev3 = _pre_node(x, W_mlp, b_mlp, W_u, W_v)
    euv3 = _pre_edge(edge_attr, W_edge)

    src = edge_index[0].astype(jnp.int32)
    dst = edge_index[1].astype(jnp.int32)
    lg_src = line_graph_edge_index[0].astype(jnp.int32)
    lg_dst = line_graph_edge_index[1].astype(jnp.int32)
    batch = edge_index_batch.astype(jnp.int32)

    table = jnp.concatenate([eu3, ev3], axis=0)
    src_pad = jnp.pad(src, (0, EPAD - E))
    dst_pad = jnp.pad(dst, (0, EPAD - E))
    gidx_blocks = jnp.concatenate([src_pad, dst_pad + N]).reshape(-1, KBLK)
    iota_rows = jnp.arange(CH, dtype=jnp.int32).reshape(CH // KBLK, KBLK)

    e0_pad = _sc_e0(table, gidx_blocks, iota_rows, euv3)

    counts_lg = _count_lg(lg_dst)
    starts_w, meta_nb, meta_st = _route_meta(counts_lg, NCHUNK, CPC)
    bsrc_b, bldst_b, bldst2_b = _fill_lg(lg_dst, lg_src, starts_w)

    outs = [e0_pad]
    for k in range(NITER + 1):
        outs.append(_msg_lg(outs[-1], e0_pad, meta_nb, meta_st,
                            bsrc_b, bldst_b))

    Wcat = jnp.concatenate(
        [W_att_root, W_att_rel, jnp.zeros((D, 14), jnp.float32)], axis=1)
    rs = [_matvec(o, Wcat) for o in outs]

    batch3d = batch.reshape(NPB, 1, PBLK)
    gouts = [
        _pool(rs[n], rs[n + 1], rs[0], batch3d, outs[n], W_gout, b_gout)
        for n in range(1, NITER + 1)
    ]
    scores = _scores(gouts, a, a_bias)
    out_fin = _fin(outs[1:NITER + 1], batch3d, scores)

    counts_e = _count_e(jnp.pad(dst, (0, EPAD - E), constant_values=2 * CH))
    starts_we, meta_nbe, meta_ste = _route_meta(counts_e, 2, 1)
    bsrc_e, bldst_e, _ = _fill_e(
        jnp.pad(dst, (0, EPAD - E), constant_values=2 * CH), dst_pad,
        starts_we)
    h_pad = jnp.pad(h, ((0, 2 * CH - N), (0, 0)))
    xo_pad = _msg_fin(out_fin, h_pad, meta_nbe, meta_ste, bsrc_e, bldst_e)
    return _final_linear(xo_pad, W_lb, b_lb)

# --- scband reference (transcript-rebuilt; emitter-appended) ---
"""Pipeline reference for scband-mvn-ddi-18021682774947 (READ-ONLY COPY).

The authoritative reference and input builder live on the scoring server;
editing this copy changes nothing except your own understanding.
"""

import jax, jax.numpy as jnp
import numpy as np

N = 10000
E = 160000
L = 320000
B = 256
D = 128
ED = 6
NITER = 4


def setup_inputs(seed: int = 0):
    key = jax.random.key(seed)
    ks = jax.random.split(key, 24)
    s = 1.0 / np.sqrt(D)
    se = 1.0 / np.sqrt(ED)
    inp = {}
    inp['x'] = jax.random.normal(ks[0], (N, D), dtype=jnp.float32)
    inp['edge_attr'] = jax.random.normal(ks[1], (E, ED), dtype=jnp.float32)
    inp['edge_index'] = jax.random.randint(ks[2], (2, E), 0, N)
    inp['line_graph_edge_index'] = jax.random.randint(ks[3], (2, L), 0, E)
    inp['edge_index_batch'] = jnp.sort(jax.random.randint(ks[4], (E,), 0, B))
    inp['W_mlp'] = jax.random.normal(ks[5], (D, D), dtype=jnp.float32) * s
    inp['b_mlp'] = jnp.zeros((D,), dtype=jnp.float32)
    inp['W_u'] = jax.random.normal(ks[6], (D, D), dtype=jnp.float32) * s
    inp['W_v'] = jax.random.normal(ks[7], (D, D), dtype=jnp.float32) * s
    inp['W_edge'] = jax.random.normal(ks[8], (ED, D), dtype=jnp.float32) * se
    inp['W_att_root'] = jax.random.normal(ks[9], (D, 1), dtype=jnp.float32) * s
    inp['W_att_rel'] = jax.random.normal(ks[10], (D, 1), dtype=jnp.float32) * s
    inp['b_att'] = jnp.zeros((1,), dtype=jnp.float32)
    inp['a'] = jax.random.normal(ks[11], (1, D, NITER), dtype=jnp.float32) * s
    inp['W_gout'] = jax.random.normal(ks[12], (D, D), dtype=jnp.float32) * s
    inp['b_gout'] = jnp.zeros((D,), dtype=jnp.float32)
    inp['a_bias'] = jnp.zeros((1, 1, NITER), dtype=jnp.float32)
    inp['W_lb'] = jax.random.normal(ks[13], (D, D), dtype=jnp.float32) * s
    inp['b_lb'] = jnp.zeros((D,), dtype=jnp.float32)
    return inp


def _fwd(x, edge_attr, W_mlp, b_mlp, W_u, W_v, W_edge, W_att_root, W_att_rel, b_att, a, W_gout, b_gout, a_bias, W_lb, b_lb, edge_index, lg, batch):
    # DrugEncoder.mlp: Linear(in_dim, hidden_dim)
    h = x @ W_mlp + b_mlp
    src = edge_index[0]
    dst = edge_index[1]
    # DMPNN edge feature construction
    eu = h @ W_u
    ev = h @ W_v
    euv = edge_attr @ W_edge
    e0 = (eu[src] + ev[dst] + euv) / 3.0
    out = e0
    lg_src = lg[0]
    lg_dst = lg[1]
    out_list = []
    gout_list = []
    for n in range(NITER):
        # scatter-add message passing on the line graph
        agg = jax.ops.segment_sum(out[lg_src], lg_dst, num_segments=E)
        out = e0 + agg
        # GlobalAttentionPool: GraphConv(hidden->1) over line graph, segment softmax, global_add_pool
        nb = jax.ops.segment_sum(out[lg_src], lg_dst, num_segments=E)
        xc = out @ W_att_root + nb @ W_att_rel + b_att  # [E,1]
        m = jax.ops.segment_max(xc, batch, num_segments=B)
        ex = jnp.exp(xc - m[batch])
        den = jax.ops.segment_sum(ex, batch, num_segments=B)
        sc = ex / den[batch]
        gx = jax.ops.segment_sum(out * sc, batch, num_segments=B)  # [B,D]
        out_list.append(out)
        gout_list.append(jnp.tanh(gx @ W_gout + b_gout))
    gout_all = jnp.stack(gout_list, axis=-1)  # [B,D,NITER]
    out_all = jnp.stack(out_list, axis=-1)    # [E,D,NITER]
    scores = jnp.sum(gout_all * a, axis=1, keepdims=True) + a_bias  # [B,1,NITER]
    scores = jax.nn.softmax(scores, axis=-1)
    # repeat_interleave(degree(batch)) == gather by batch since batch is sorted
    scores_e = scores[batch]  # [E,1,NITER]
    out_fin = jnp.sum(out_all * scores_e, axis=-1)  # [E,D]
    xo = h + jax.ops.segment_sum(out_fin, dst, num_segments=N)
    # LinearBlock.lin1
    xo = xo @ W_lb + b_lb
    return xo


def reference(x, edge_attr, edge_index, line_graph_edge_index, edge_index_batch, W_mlp, b_mlp, W_u, W_v, W_edge, W_att_root, W_att_rel, b_att, a, W_gout, b_gout, a_bias, W_lb, b_lb):
    return _fwd(x, edge_attr, W_mlp, b_mlp, W_u, W_v, W_edge, W_att_root, W_att_rel, b_att, a, W_gout, b_gout, a_bias, W_lb, b_lb, edge_index, line_graph_edge_index, edge_index_batch)

if __name__ == "__main__":
    import jax
    _d = setup_inputs()
    print(jax.jit(kernel)(*tuple(_d.values())))

</pallas_src>

<mosaic_0001>
#map = affine_map<(d0, d1) -> (0, 0)>
module attributes {stable_mosaic.version = 14 : i64} {
  func.func @_e0_body(%arg0: i32, %arg1: i32, %arg2: memref<20000x128xf32, #tpu.memory_space<hbm>>, %arg3: memref<2560x128xi32, #tpu.memory_space<hbm>>, %arg4: memref<64x128xi32, #tpu.memory_space<hbm>>, %arg5: memref<163840x128xf32, #tpu.memory_space<hbm>>, %arg6: memref<163840x128xf32, #tpu.memory_space<hbm>>, %arg7: memref<8192x128xf32, #tpu.memory_space<vmem_shared>>, %arg8: memref<128xi32, #tpu.memory_space<vmem>>, %arg9: memref<4x128xi32, #tpu.memory_space<vmem>>, %arg10: memref<128x128xf32, #tpu.memory_space<vmem>>, %arg11: memref<!tpu.dma_semaphore, #tpu.memory_space<semaphore_mem>>) attributes {dimension_semantics = [#tpu.dimension_semantics<core_parallel>, #tpu.dimension_semantics<subcore_parallel>], iteration_bounds = array<i64: 2, 16>, scalar_prefetch = 0 : i64, scratch_operands = 5 : i64, tpu.core_type = #tpu.core_type<sc_vector_subcore>, window_params = [{transform_indices = #map}, {transform_indices = #map}, {transform_indices = #map}, {transform_indices = #map}, {transform_indices = #map}]} {
    %mul3A = arith.constant 4 : i32
    %mul3A_0 = arith.muli %arg1, %mul3A : i32
    "tpu.region"() ({
      %run_scoped3A = tpu.sem_alloc : memref<!tpu.dma_semaphore, #tpu.memory_space<semaphore_mem>>
      %dma_start3A = arith.constant 0 : i32
      %dma_start3A_6 = tpu.memref_slice %arg4[%mul3A_0, %dma_start3A] : memref<64x128xi32, #tpu.memory_space<hbm>> -> memref<4x128xi32, #tpu.memory_space<hbm>>
      %dma_start3A_7 = arith.constant 0 : i32
      %dma_start3A_8 = tpu.memref_slice %arg4[%mul3A_0, %dma_start3A_7] : memref<64x128xi32, #tpu.memory_space<hbm>> -> memref<4x128xi32, #tpu.memory_space<hbm>>
      tpu.enqueue_dma source(%dma_start3A_8 : memref<4x128xi32, #tpu.memory_space<hbm>>) target(%arg9 : memref<4x128xi32, #tpu.memory_space<vmem>>) target_semaphore(%run_scoped3A : memref<!tpu.dma_semaphore, #tpu.memory_space<semaphore_mem>>)
      %dma_wait3A = arith.constant 0 : i32
      %dma_wait3A_9 = tpu.memref_slice %arg4[%mul3A_0, %dma_wait3A] : memref<64x128xi32, #tpu.memory_space<hbm>> -> memref<4x128xi32, #tpu.memory_space<hbm>>
      %dma_wait3A_10 = arith.constant 0 : i32
      %dma_wait3A_11 = tpu.memref_slice %arg4[%mul3A_0, %dma_wait3A_10] : memref<64x128xi32, #tpu.memory_space<hbm>> -> memref<4x128xi32, #tpu.memory_space<hbm>>
      tpu.wait_dma2 semaphore(%run_scoped3A : memref<!tpu.dma_semaphore, #tpu.memory_space<semaphore_mem>>) src(%dma_wait3A_11 : memref<4x128xi32, #tpu.memory_space<hbm>>) dst(%arg9 : memref<4x128xi32, #tpu.memory_space<vmem>>)
      tpu.yield
    }) : () -> ()
    %scan3A = arith.constant 0 : i32
    %scan3A_1 = arith.constant 0 : i32
    %scan3A_2 = arith.constant 10 : i32
    %scan3A_3 = arith.addi %scan3A_1, %scan3A_2 : i32
    %scan3A_4 = arith.constant 1 : i32
    scf.for %scan3A_6 = %scan3A_1 to %scan3A_3 step %scan3A_4  : i32 {
      %mul3A_7 = arith.constant 10 : i32
      %mul3A_8 = arith.muli %arg0, %mul3A_7 : i32
      %add3A = arith.addi %mul3A_8, %scan3A_6 : i32
      %mul3A_9 = arith.constant 8192 : i32
      %mul3A_10 = arith.muli %add3A, %mul3A_9 : i32
      %mul3A_11 = arith.constant 512 : i32
      %mul3A_12 = arith.muli %arg1, %mul3A_11 : i32
      %add3A_13 = arith.addi %mul3A_10, %mul3A_12 : i32
      %mul3A_14 = arith.constant 512 : i32
      %mul3A_15 = arith.muli %arg1, %mul3A_14 : i32
      "tpu.region"() ({
        %run_scoped3A = tpu.sem_alloc : memref<!tpu.dma_semaphore, #tpu.memory_space<semaphore_mem>>
        %dma_start3A = arith.constant 0 : i32
        %dma_start3A_26 = tpu.memref_slice %arg7[%mul3A_15, %dma_start3A] : memref<8192x128xf32, #tpu.memory_space<vmem_shared>> -> memref<512x128xf32, #tpu.memory_space<vmem_shared>>
        %dma_start3A_27 = arith.constant 0 : i32
        %dma_start3A_28 = tpu.memref_slice %arg5[%add3A_13, %dma_start3A_27] : memref<163840x128xf32, #tpu.memory_space<hbm>> -> memref<512x128xf32, #tpu.memory_space<hbm>>
        tpu.enqueue_dma source(%dma_start3A_28 : memref<512x128xf32, #tpu.memory_space<hbm>>) target(%dma_start3A_26 : memref<512x128xf32, #tpu.memory_space<vmem_shared>>) target_semaphore(%run_scoped3A : memref<!tpu.dma_semaphore, #tpu.memory_space<semaphore_mem>>)
        %dma_wait3A = arith.constant 0 : i32
        %dma_wait3A_29 = tpu.memref_slice %arg7[%mul3A_15, %dma_wait3A] : memref<8192x128xf32, #tpu.memory_space<vmem_shared>> -> memref<512x128xf32, #tpu.memory_space<vmem_shared>>
        %dma_wait3A_30 = arith.constant 0 : i32
        %dma_wait3A_31 = tpu.memref_slice %arg5[%add3A_13, %dma_wait3A_30] : memref<163840x128xf32, #tpu.memory_space<hbm>> -> memref<512x128xf32, #tpu.memory_space<hbm>>
        tpu.wait_dma2 semaphore(%run_scoped3A : memref<!tpu.dma_semaphore, #tpu.memory_space<semaphore_mem>>) src(%dma_wait3A_31 : memref<512x128xf32, #tpu.memory_space<hbm>>) dst(%dma_wait3A_29 : memref<512x128xf32, #tpu.memory_space<vmem_shared>>)
        tpu.yield
      }) : () -> ()
      %barrier3A = arith.constant 0 : index
      tpu.barrier barrier_id(%barrier3A)
      %scan3A_16 = arith.constant 0 : i32
      %scan3A_17 = arith.constant 0 : i32
      %scan3A_18 = arith.constant 2 : i32
      %scan3A_19 = arith.addi %scan3A_17, %scan3A_18 : i32
      %scan3A_20 = arith.constant 1 : i32
      scf.for %scan3A_26 = %scan3A_17 to %scan3A_19 step %scan3A_20  : i32 {
        %scan3A_27 = arith.constant 0 : i32
        %scan3A_28 = arith.constant 4 : i32
        %scan3A_29 = arith.addi %scan3A_27, %scan3A_28 : i32
        %scan3A_30 = arith.constant 1 : i32
        scf.for %scan3A_32 = %scan3A_27 to %scan3A_29 step %scan3A_30  : i32 {
          %mul3A_33 = arith.constant 1280 : i32
          %mul3A_34 = arith.muli %scan3A_26, %mul3A_33 : i32
          %mul3A_35 = arith.constant 64 : i32
          %mul3A_36 = arith.muli %add3A, %mul3A_35 : i32
          %add3A_37 = arith.addi %mul3A_34, %mul3A_36 : i32
          %mul3A_38 = arith.constant 4 : i32
          %mul3A_39 = arith.muli %arg1, %mul3A_38 : i32
          %add3A_40 = arith.addi %add3A_37, %mul3A_39 : i32
          %add3A_41 = arith.addi %add3A_40, %scan3A_32 : i32
          "tpu.region"() ({
            %run_scoped3A = tpu.sem_alloc : memref<!tpu.dma_semaphore, #tpu.memory_space<semaphore_mem>>
            %dma_start3A_46 = arith.constant 0 : i32
            %dma_start3A_47 = tpu.memref_slice %arg3[%add3A_41, %dma_start3A_46] : memref<2560x128xi32, #tpu.memory_space<hbm>> -> memref<1x128xi32, #tpu.memory_space<hbm>>
            %dma_start3A_48 = tpu.memref_squeeze %dma_start3A_47 : memref<1x128xi32, #tpu.memory_space<hbm>> -> memref<128xi32, #tpu.memory_space<hbm>>
            %dma_start3A_49 = arith.constant 0 : i32
            %dma_start3A_50 = tpu.memref_slice %arg3[%add3A_41, %dma_start3A_49] : memref<2560x128xi32, #tpu.memory_space<hbm>> -> memref<1x128xi32, #tpu.memory_space<hbm>>
            %dma_start3A_51 = tpu.memref_squeeze %dma_start3A_50 : memref<1x128xi32, #tpu.memory_space<hbm>> -> memref<128xi32, #tpu.memory_space<hbm>>
            tpu.enqueue_dma source(%dma_start3A_51 : memref<128xi32, #tpu.memory_space<hbm>>) target(%arg8 : memref<128xi32, #tpu.memory_space<vmem>>) target_semaphore(%run_scoped3A : memref<!tpu.dma_semaphore, #tpu.memory_space<semaphore_mem>>)
            %dma_wait3A_52 = arith.constant 0 : i32
            %dma_wait3A_53 = tpu.memref_slice %arg3[%add3A_41, %dma_wait3A_52] : memref<2560x128xi32, #tpu.memory_space<hbm>> -> memref<1x128xi32, #tpu.memory_space<hbm>>
            %dma_wait3A_54 = tpu.memref_squeeze %dma_wait3A_53 : memref<1x128xi32, #tpu.memory_space<hbm>> -> memref<128xi32, #tpu.memory_space<hbm>>
            %dma_wait3A_55 = arith.constant 0 : i32
            %dma_wait3A_56 = tpu.memref_slice %arg3[%add3A_41, %dma_wait3A_55] : memref<2560x128xi32, #tpu.memory_space<hbm>> -> memref<1x128xi32, #tpu.memory_space<hbm>>
            %dma_wait3A_57 = tpu.memref_squeeze %dma_wait3A_56 : memref<1x128xi32, #tpu.memory_space<hbm>> -> memref<128xi32, #tpu.memory_space<hbm>>
            tpu.wait_dma2 semaphore(%run_scoped3A : memref<!tpu.dma_semaphore, #tpu.memory_space<semaphore_mem>>) src(%dma_wait3A_57 : memref<128xi32, #tpu.memory_space<hbm>>) dst(%arg8 : memref<128xi32, #tpu.memory_space<vmem>>)
            tpu.yield
          }) : () -> ()
          %dma_start3A = arith.constant 0 : i32
          %dma_start3A_42 = arith.constant 0 : i32
          %dma_start3A_43 = tpu.memref_slice %arg2[%dma_start3A, %dma_start3A_42] : memref<20000x128xf32, #tpu.memory_space<hbm>> -> memref<20000x128xf32, #tpu.memory_space<hbm>>
          tpu.enqueue_indirect_dma source(%dma_start3A_43 : memref<20000x128xf32, #tpu.memory_space<hbm>>) target(%arg10 : memref<128x128xf32, #tpu.memory_space<vmem>>) offsets(%arg8 : memref<128xi32, #tpu.memory_space<vmem>>) semaphore(%arg11 : memref<!tpu.dma_semaphore, #tpu.memory_space<semaphore_mem>>)
          %dma_wait3A = arith.constant 0 : i32
          %dma_wait3A_44 = arith.constant 0 : i32
          %dma_wait3A_45 = tpu.memref_slice %arg2[%dma_wait3A, %dma_wait3A_44] : memref<20000x128xf32, #tpu.memory_space<hbm>> -> memref<20000x128xf32, #tpu.memory_space<hbm>>
          tpu.wait_indirect_dma semaphore(%arg11 : memref<!tpu.dma_semaphore, #tpu.memory_space<semaphore_mem>>) src(%dma_wait3A_45 : memref<20000x128xf32, #tpu.memory_space<hbm>>) dst(%arg10 : memref<128x128xf32, #tpu.memory_space<vmem>>)
          "tpu.region"() ({
            %run_scoped3A = tpu.sem_alloc : memref<!tpu.dma_semaphore, #tpu.memory_space<semaphore_mem>>
            %dma_start3A_46 = arith.constant 0 : i32
            %dma_start3A_47 = tpu.memref_slice %arg9[%scan3A_32, %dma_start3A_46] : memref<4x128xi32, #tpu.memory_space<vmem>> -> memref<1x128xi32, #tpu.memory_space<vmem>>
            %dma_start3A_48 = tpu.memref_squeeze %dma_start3A_47 : memref<1x128xi32, #tpu.memory_space<vmem>> -> memref<128xi32, #tpu.memory_space<vmem>>
            %dma_start3A_49 = arith.constant 0 : i32
            %dma_start3A_50 = arith.constant 0 : i32
            %dma_start3A_51 = tpu.memref_slice %arg7[%dma_start3A_49, %dma_start3A_50] : memref<8192x128xf32, #tpu.memory_space<vmem_shared>> -> memref<8192x128xf32, #tpu.memory_space<vmem_shared>>
            tpu.enqueue_indirect_dma source(%arg10 : memref<128x128xf32, #tpu.memory_space<vmem>>) target(%dma_start3A_51 : memref<8192x128xf32, #tpu.memory_space<vmem_shared>>) offsets(%dma_start3A_48 : memref<128xi32, #tpu.memory_space<vmem>>) semaphore(%run_scoped3A : memref<!tpu.dma_semaphore, #tpu.memory_space<semaphore_mem>>) {add = true}
            %dma_wait3A_52 = arith.constant 0 : i32
            %dma_wait3A_53 = tpu.memref_slice %arg9[%scan3A_32, %dma_wait3A_52] : memref<4x128xi32, #tpu.memory_space<vmem>> -> memref<1x128xi32, #tpu.memory_space<vmem>>
            %dma_wait3A_54 = tpu.memref_squeeze %dma_wait3A_53 : memref<1x128xi32, #tpu.memory_space<vmem>> -> memref<128xi32, #tpu.memory_space<vmem>>
            %dma_wait3A_55 = arith.constant 0 : i32
            %dma_wait3A_56 = arith.constant 0 : i32
            %dma_wait3A_57 = tpu.memref_slice %arg7[%dma_wait3A_55, %dma_wait3A_56] : memref<8192x128xf32, #tpu.memory_space<vmem_shared>> -> memref<8192x128xf32, #tpu.memory_space<vmem_shared>>
            tpu.wait_indirect_dma semaphore(%run_scoped3A : memref<!tpu.dma_semaphore, #tpu.memory_space<semaphore_mem>>) src(%arg10 : memref<128x128xf32, #tpu.memory_space<vmem>>) dst(%dma_wait3A_57 : memref<8192x128xf32, #tpu.memory_space<vmem_shared>>)
            tpu.yield
          }) : () -> ()
        }
        %scan3A_31 = arith.constant 4 : i32
      }
      %scan3A_21 = arith.constant 2 : i32
      %barrier3A_22 = arith.constant 0 : index
      tpu.barrier barrier_id(%barrier3A_22)
      %mul3A_23 = arith.constant 512 : i32
      %mul3A_24 = arith.muli %arg1, %mul3A_23 : i32
      "tpu.region"() ({
        %run_scoped3A = tpu.sem_alloc : memref<!tpu.dma_semaphore, #tpu.memory_space<semaphore_mem>>
        %dma_start3A = arith.constant 0 : i32
        %dma_start3A_26 = tpu.memref_slice %arg6[%add3A_13, %dma_start3A] : memref<163840x128xf32, #tpu.memory_space<hbm>> -> memref<512x128xf32, #tpu.memory_space<hbm>>
        %dma_start3A_27 = arith.constant 0 : i32
        %dma_start3A_28 = tpu.memref_slice %arg7[%mul3A_24, %dma_start3A_27] : memref<8192x128xf32, #tpu.memory_space<vmem_shared>> -> memref<512x128xf32, #tpu.memory_space<vmem_shared>>
        tpu.enqueue_dma source(%dma_start3A_28 : memref<512x128xf32, #tpu.memory_space<vmem_shared>>) target(%dma_start3A_26 : memref<512x128xf32, #tpu.memory_space<hbm>>) target_semaphore(%run_scoped3A : memref<!tpu.dma_semaphore, #tpu.memory_space<semaphore_mem>>)
        %dma_wait3A = arith.constant 0 : i32
        %dma_wait3A_29 = tpu.memref_slice %arg6[%add3A_13, %dma_wait3A] : memref<163840x128xf32, #tpu.memory_space<hbm>> -> memref<512x128xf32, #tpu.memory_space<hbm>>
        %dma_wait3A_30 = arith.constant 0 : i32
        %dma_wait3A_31 = tpu.memref_slice %arg7[%mul3A_24, %dma_wait3A_30] : memref<8192x128xf32, #tpu.memory_space<vmem_shared>> -> memref<512x128xf32, #tpu.memory_space<vmem_shared>>
        tpu.wait_dma2 semaphore(%run_scoped3A : memref<!tpu.dma_semaphore, #tpu.memory_space<semaphore_mem>>) src(%dma_wait3A_31 : memref<512x128xf32, #tpu.memory_space<vmem_shared>>) dst(%dma_wait3A_29 : memref<512x128xf32, #tpu.memory_space<hbm>>)
        tpu.yield
      }) : () -> ()
      %barrier3A_25 = arith.constant 0 : index
      tpu.barrier barrier_id(%barrier3A_25)
    }
    %scan3A_5 = arith.constant 10 : i32
    return
  }
}

</mosaic_0001>

<sc_bundles>
// kernel: _sc_e0.3.cloned.1.call-start
scs
__scs_entry_jumppad:
0x0: {  	(pc) =	sbr.rel $0x88, $3  }
0x1: {  	(tag) =	ssettag $0x0;
	lr =	simm.s32 $0x1  }
0x2: {  	[smem:$0x3F9D] =	sst lr;
	_ =	strace $0xD0000000  }
0x3: {  	_ = 	snop  }
0x4: {  	_ = 	snop  }
0x5: {  	_ = 	snop  }
0x6: {  	_ = 	snop  }
0x7: {  	_ = 	snop  }
__scs_overlays_trampoline_lowered:
0x8: {  	[smem:$0x3FAC] =	sst s0  }
0x9: {  	[smem:$0x3FAD] =	sst s1  }
0xa: {  	[smem:$0x3FAE] =	sst s2  }
0xb: {  	[smem:$0x3FAF] =	sst s3  }
0xc: {  	[smem:$0x3FB0] =	sst s4  }
0xd: {  	[smem:$0x3FB1] =	sst s5  }
0xe: {  	[smem:$0x3FB2] =	sst s6  }
0xf: {  	[smem:$0x3FB3] =	sst s7  }
0x10: {  	[smem:$0x3FB4] =	sst s8  }
0x11: {  	[smem:$0x3FB5] =	sst s9;
	s0 =	simm.s32 @!p0 $0x0  }
0x12: {  	s1 =	sld [smem:$0x3F9B];
	s0 =	simm.s32 @p0 $0x1  }
0x13: {  	[smem:$0x3FB6] =	sst s0;
	s0 =	simm.s32 @!p1 $0x0  }
0x14: {  	s2 =	sld [smem:$0x3F9A];
	s0 =	simm.s32 @p1 $0x1  }
0x15: {  	[smem:$0x3FB7] =	sst s0;
	s0 =	simm.s32 @!p2 $0x0  }
0x16: {  	s3 =	sld [smem:$0x3FDB];
	s0 =	simm.s32 @p2 $0x1  }
0x17: {  	s4 =	simm.s32 $0x1BF5;
	[smem:$0x3FB9] =	sst s0  }
0x18: {  	s0 =	sld [smem:$0x3F9C];
	_ =	swait.ge [sflag:s4], $0x0  }
0x19: {  	s7 =	sld [smem:$0x3F9D]  }
0x1a: {  	s8 =	sadd.s32 $0xFFFFE003, lr  }
0x1b: {  	s9 =	sadd.s32 $0xFFFFFEF7, lr;
	s5 =	simm.s32 $0xFFFFFFFF;
	p2 =	slt.u32 s8, $0xFFFFF086  }
0x1c: {  	p1 =	slt.u32 s9, $0xF7A;
	s5 =	simm.s32 @!p2 $0x0  }
0x1d: {  	s5 =	simm.s32 @p1 $0x1;
	p0 =	seq.s32 s7, s2  }
0x1e: {  	s7 =	smul.u32 @!p0 $0xF7A, s2;
	p2 =	seq.s32 @!p0 s5, $0x0  }
0x1f: {  	s9 =	smul.u32 $0xF7A, s1;
	s8 =	simm.s32 @!p0 $0x1BF5;
	p2 =	por !p2, p0  }
0x20: {  	[sflag:s8] =	ssyncset.s32 @!p0 $0xFFFFF086;
	s6 =	sadd.s32 @!p0 s3, s7;
	s7 =	simm.s32 @!p0 $0x108  }
0x21: {  	s3 =	sadd.s32 s3, s9;
	s6 =	sadd.s32 @!p0 $0x88, s6;
	s7 =	simm.s32 @p2 $0x1082  }
0x22: {  	[simem:s7], [sflag:s8] =	dma.local @!p0 [hbm:s6], $0xF7A  }
0x23: {  	s9 =	sor.u32 $0xD0000000, s2;
	s6 =	simm.s32 $0x108;
	_ =	swait.ge @!p0 [sflag:s8], $0x0  }
0x24: {  	s3 =	sadd.s32 $0x88, s3;
	s6 =	simm.s32 @!p1 $0x1082;
	[sflag:s4] =	ssyncset.s32 $0xFFFFF086  }
0x25: {  	[simem:s6], [sflag:s4] =	dma.local [hbm:s3], $0xF7A  }
0x26: {  	[smem:$0x3F9D] =	sst s1;
	(tag) =	ssettag s2;
	_ =	strace s9  }
0x27: {  	s1 =	sld [smem:$0x3FAD]  }
0x28: {  	s2 =	sld [smem:$0x3FAE]  }
0x29: {  	s4 =	sld [smem:$0x3FB0]  }
0x2a: {  	p0 =	seq.s32 s5, $0x0;
	s5 =	sld [smem:$0x3FB1]  }
0x2b: {  	s6 =	sld [smem:$0x3FB2]  }
0x2c: {  	s7 =	sld [smem:$0x3FB3]  }
0x2d: {  	s3 =	simm.s32 $0x108;
	s8 =	sld [smem:$0x3FB4]  }
0x2e: {  	s3 =	simm.s32 @!p0 $0x1082;
	s9 =	sld [smem:$0x3FB5]  }
0x2f: {  	lr =	sadd.s32 s0, s3;
	s0 =	sld [smem:$0x3FAC]  }
0x30: {  	s3 =	sld [smem:$0x3FAF]  }
0x31: {  	[smem:$0x3FB8] =	sst s10  }
0x32: {  	s10 =	sld [smem:$0x3FB6];
	_ =	sdelay $0x3  }
0x33: {  	p0 =	seq.s32 s10, $0x1;
	s10 =	sld [smem:$0x3FB8];
	_ =	sdelay $0x3  }
0x34: {  	[smem:$0x3FB8] =	sst s10  }
0x35: {  	s10 =	sld [smem:$0x3FB7];
	_ =	sdelay $0x3  }
0x36: {  	p1 =	seq.s32 s10, $0x1;
	s10 =	sld [smem:$0x3FB8];
	_ =	sdelay $0x3  }
0x37: {  	[smem:$0x3FB8] =	sst s10  }
0x38: {  	s10 =	sld [smem:$0x3FB9]  }
0x39: {  	_ = 	snop;
	(pc) =	sbr.ind lr, $3  }
0x3a: {  	_ = 	snop  }
0x3b: {  	_ = 	snop  }
0x3c: {  	p2 =	seq.s32 s10, $0x1;
	s10 =	sld [smem:$0x3FB8]  }
0x3d: {  	_ =	shalt  }
0x3e: {  	_ =	shalt  }
0x3f: {  	_ =	shalt  }
0x40: {  	_ =	shalt  }
0x41: {  	_ =	shalt  }
0x42: {  	_ =	shalt  }
0x43: {  	_ =	shalt  }
0x44: {  	_ =	shalt  }
0x45: {  	_ =	shalt  }
0x46: {  	_ =	shalt  }
0x47: {  	_ =	shalt  }
0x48: {  	_ =	shalt  }
0x49: {  	_ =	shalt  }
0x4a: {  	_ =	shalt  }
0x4b: {  	_ =	shalt  }
0x4c: {  	_ =	shalt  }
0x4d: {  	_ =	shalt  }
0x4e: {  	_ =	shalt  }
0x4f: {  	_ =	shalt  }
0x50: {  	_ =	shalt  }
0x51: {  	_ =	shalt  }
0x52: {  	_ =	shalt  }
0x53: {  	_ =	shalt  }
0x54: {  	_ =	shalt  }
0x55: {  	_ =	shalt  }
0x56: {  	_ =	shalt  }
0x57: {  	_ =	shalt  }
0x58: {  	_ =	shalt  }
0x59: {  	_ =	shalt  }
0x5a: {  	_ =	shalt  }
0x5b: {  	_ =	shalt  }
0x5c: {  	_ =	shalt  }
0x5d: {  	_ =	shalt  }
0x5e: {  	_ =	shalt  }
0x5f: {  	_ =	shalt  }
0x60: {  	_ =	shalt  }
0x61: {  	_ =	shalt  }
0x62: {  	_ =	shalt  }
0x63: {  	_ =	shalt  }
0x64: {  	_ =	shalt  }
0x65: {  	_ =	shalt  }
0x66: {  	_ =	shalt  }
0x67: {  	_ =	shalt  }
0x68: {  	_ =	shalt  }
0x69: {  	_ =	shalt  }
0x6a: {  	_ =	shalt  }
0x6b: {  	_ =	shalt  }
0x6c: {  	_ =	shalt  }
0x6d: {  	_ =	shalt  }
0x6e: {  	_ =	shalt  }
0x6f: {  	_ =	shalt  }
0x70: {  	_ =	shalt  }
0x71: {  	_ =	shalt  }
0x72: {  	_ =	shalt  }
0x73: {  	_ =	shalt  }
0x74: {  	_ =	shalt  }
0x75: {  	_ =	shalt  }
0x76: {  	_ =	shalt  }
0x77: {  	_ =	shalt  }
0x78: {  	_ =	shalt  }
0x79: {  	_ =	shalt  }
0x7a: {  	_ =	shalt  }
0x7b: {  	_ =	shalt  }
0x7c: {  	_ =	shalt  }
0x7d: {  	_ =	shalt  }
0x7e: {  	_ =	shalt  }
0x7f: {  	_ =	shalt  }
0x80: {  	_ =	shalt  }
0x81: {  	_ =	shalt  }
0x82: {  	_ =	shalt  }
0x83: {  	_ =	shalt  }
0x84: {  	_ =	shalt  }
0x85: {  	_ =	shalt  }
0x86: {  	_ =	shalt  }
0x87: {  	_ =	shalt  }
.Lfunc_end0:
.L_simem_size_0:
called_computation_lowered:
.L_overlay_start_0:
0x88: {  	s2 =	sld [smem:$0x3FD9]  }
0x89: {  	s3 =	sld [smem:$0x3FFE];
	_ =	sdelay $0x1  }
0x8a: {  	s1 =	srdreg.scid  }
0x8b: {  	s0 =	sand.u32 $0x1, s1  }
0x8c: {  	s18 =	sshll.u32 s0, $0xA;
	s2 =	sadd.s32 s3, s2  }
0x8d: {  	s2 =	sadd.s32 s2, s18  }
0x8e: {  	[smem:$0x3FC4] =	sst s2  }
0x8f: {  	_ = 	snop  }
0x90: {  	s2 =	sld [smem:$0x3FC9]  }
0x91: {  	s19 =	sld [smem:$0x3FC8]  }
0x92: {  	s4 =	sld [smem:$0x3FC7]  }
0x93: {  	s5 =	sld [smem:$0x3FC6]  }
0x94: {  	s6 =	sld [smem:$0x3FD0];
	(tm) =	ssettm $0x1  }
0x95: {  	s7 =	sld [smem:$0x3FFB];
	_ =	sdelay $0x3  }
0x96: {  	_ =	strace s7  }
0x97: {  	s7 =	sld [smem:$0x3FFC];
	_ =	sdelay $0x3  }
0x98: {  	_ =	strace s7  }
0x99: {  	s7 =	sld [smem:$0x3FFD];
	_ =	sdelay $0x3  }
0x9a: {  	_ =	strace s7  }
0x9b: {  	_ =	strace $0x8FFFFFFF  }
0x9c: {  	s20 =	sld [smem:$0x3FDB];
	_ =	sdelay $0x1  }
0x9d: {  	s8 =	simm.s32 $_scs_section_size  }
0x9e: {  	s9 =	simm.s32 $_size__tile_overlayer_lowered;
	s10 =	simm.s32 $_tile_overlayer_lowered  }
0x9f: {  	s23 =	simm.s32 $0x1BFF;
	s22 =	sshll.u32 s10, $0x1;
	s7 =	sadd.s32 s8, s20  }
0xa0: {  	s11 =	simm.s32 $0x0;
	s21 =	sshll.u32 s9, $0x1;
	s9 =	sadd.s32 s22, s7  }
0xa1: {  	[timem:s11], [sflag:s23] =	dma.local [hbm:s9], s21  }
0xa2: {  	_ =	swait.ge [sflag:s23], s21  }
0xa3: {  	s8 =	ssub.s32 $0x0, s21;
	[sflag:s23] =	ssyncset.done $0x0  }
0xa4: {  	[sflag:s23] =	ssyncadd.s32 s8;
	_ =	sdelay $0x1  }
0xa5: {  	s24 =	simm.s32 $0x1B8B  }
0xa6: {  	_ =	swait.ge [sflag:s24], $0x1  }
0xa7: {  	[sflag:s24] =	ssyncset.done $0x0  }
0xa8: {  	s25 =	simm.s32 $0x1B8E;
	[sflag:s24] =	ssyncadd.s32 $0xFFFFFFFF  }
0xa9: {  	s26 =	simm.s32 $execute0_lowered;
	[smem:$0x3FD2] =	sst s25  }
0xaa: {  	s8 =	sshll.u32 s26, $0x1;
	_ =	strace $0x80000046;
	[dreg:$0x1] =	wrdreg $0xFFFFFFFF  }
0xab: {  	s28 =	simm.s32 $_size_execute0_lowered;
	s7 =	sadd.s32 s7, s8;
	[dreg:$0x0] =	wrdreg $0x0  }
0xac: {  	s8 =	sshll.u32 s28, $0x1;
	[dreg:$0x2] =	wrdreg s7  }
0xad: {  	[dreg:$0x3] =	wrdreg s8  }
0xae: {  	[dreg:$0x4] =	wrdreg $0xC0  }
0xaf: {  	_ =	task [dreg:s11], $0x5FFFF  }
0xb0: {  	[dreg:$0x1] =	wrdreg $0xFFFFFFFF  }
0xb1: {  	[dreg:$0x0] =	wrdreg $0x60  }
0xb2: {  	[dreg:$0x2] =	wrdreg s2  }
0xb3: {  	[dreg:$0x3] =	wrdreg s19  }
0xb4: {  	[dreg:$0x4] =	wrdreg s4  }
0xb5: {  	[dreg:$0x5] =	wrdreg s5  }
0xb6: {  	[dreg:$0x6] =	wrdreg s6  }
0xb7: {  	[dreg:$0x7] =	wrdreg $0x0  }
0xb8: {  	[dreg:$0x8] =	wrdreg $0x9  }
0xb9: {  	_ =	task.clear_ibuf [dreg:s11], $0x9FFFF;
	_ =	strace $0x90000046  }
0xba: {  	s29 =	simm.s32 $0x9;
	_ =	strace $0x80000048  }
0xbb: {  	_ =	swait.ge [sflag:s29], $0x1  }
0xbc: {  	[sflag:s29] =	ssyncadd.s32 $0xFFFFFFFF  }
0xbd: {  	_ =	strace $0x90000048  }
0xbe: {  	_ =	sfence  }
0xbf: {  	s30 =	sld [smem:$0x0];
	_ =	sdelay $0x2  }
0xc0: {  	s31 =	sshll.u32 s1, $0xD;
	s1 =	sshrl.u32 s1, $0x2  }
0xc1: {  	s3 =	sand.u32 $0x4000, s31;
	s1 =	sadd.s32 s1, s30  }
0xc2: {  	s0 =	sor.u32 s3, s0;
	s1 =	sshll.u32 s1, $0x11  }
0xc3: {  	s0 =	sor.u32 s1, s0  }
0xc4: {  	s0 =	sadd.s32 $0x8F2B, s0  }
0xc5: {  	[sflag:s0] =	ssyncadd.remote.s32 $0x1  }
0xc6: {  	_ =	sfence.sel $0xFFFF  }
0xc7: {  	[dreg:$0x0] =	wrdreg $0xFFFFFFFF;
	(pc) =	sbr.abs _section_cstart, $3  }
0xc8: {  	[dreg:$0x1] =	wrdreg $0xFFFFFFFF  }
0xc9: {  	_ =	task.clear_ibuf [dreg:s11], $0x2FFFF;
	_ =	strace $0x9FFFFFFF  }
0xca: {  	(tm) =	ssettm $0x7FFFFFFF  }
0xcb: {  	_ =	shalt  }
tec
execute0_lowered:
.L_overlay_start_1:
0x0: {  	(tag) =	ssettag $0x1  }
0x1: {  	s1 =	rddreg [dreg:$0x0]  }
0x2: {  	s8 =	rddreg [dreg:$0x1]  }
0x3: {  	s5 =	rddreg [dreg:$0x2]  }
0x4: {  	s9 =	rddreg [dreg:$0x3]  }
0x5: {  	s10 =	rddreg [dreg:$0x4]  }
0x6: {  	s2 =	rddreg [dreg:$0x5]  }
0x7: {  	s0 =	rddreg [dreg:$0x6]  }
0x8: {  	s3 =	simm.s32 $0x0;
	s4 =	srdreg.scid;
	s18 =	simm.s32 $0x1  }
0x9: {  	s19 =	simm.s32 $0x10100;
	s20 =	simm.s32 $0x10180;
	s21 =	simm.s32 $0x10200  }
0xa: {  	s22 =	simm.s32 $0x0;
	[smem:$0x7FF] =	sst s3;
	s6 =	sand.u32 $0x1, s4  }
0xb: {  	s4 =	stileid.u32;
	_ =	strace $0x80000047;
	s7 =	ssub.s32 $0x2, s6  }
0xc: {  	s12 =	smul.u32 $0x2800, s6;
	s13 =	sshll.u32 s4, $0x6;
	s29 =	sshll.u32 s4, $0x10  }
0xd: {  	s31 =	sshll.u32 s4, $0xD;
	s17 =	smul.u32 $0x140000, s6;
	s11 =	sshrl.u32 s7, $0x1  }
0xe: {  	s5 =	sadd.s32 s5, s13;
	s14 =	sadd.s32 s29, s2;
	s15 =	sand.u32 $0x40, s13  }
0xf: {  	s7 =	ssub.s32 s7, s11;
	s30 =	sor.u32 s13, s12;
	s9 =	sadd.s32 s17, s9  }
0x10: {  	s10 =	sadd.s32 s17, s10;
	s12 =	simm.s32 $0x2;
	s13 =	sor.u32 $0x1C02, s13  }
0x11: {  	s14 =	sshrl.u32 s14, $0x3;
	s17 =	simm.s32 $0x10280;
	s16 =	sand.u32 $0x3B80, s30  }
0x12: {  	s11 =	sadd.s32 $0x5000, s30;
	s6 =	smax.u32 s7, $0x1;
	s9 =	sadd.s32 s31, s9  }
0x13: {  	s10 =	sadd.s32 s31, s10;
	s16 =	sadd.s32 s16, s8;
	s11 =	sand.u32 $0xFB80, s11  }
0x14: {  	s7 =	sadd.s32 s15, s16;
	s8 =	sadd.s32 s11, s8;
	s11 =	simm.s32 $0x10080  }
0x15: {  	s16 =	simm.s32 $0x80;
	s8 =	sadd.s32 s15, s8;
	s15 =	simm.s32 $0x10000  }
.LBB2_1:
0x16: {  	[tilespmem:s11], [sflag:$0x2] =	stream.linear.gather [hbm4b:s5+s3], $0x200, $0x38;
	[tilespmem:$0x14280] =	vst v63  }
0x17: {  	_ =	swait.ge [sflag:s12], $0x200  }
0x18: {  	[sflag:s12] =	ssyncset.done $0x0  }
0x19: {  	[sflag:s12] =	ssyncadd.s32 $0xFFFFFE00  }
0x1a: {  	[spmem:s14], [sflag:s13] =	dma.local [hbm:s9], $0x2000  }
0x1b: {  	_ =	swait.ge [sflag:s12], $0x2000  }
0x1c: {  	[sflag:s12] =	ssyncset.done $0x0  }
0x1d: {  	[sflag:s12] =	ssyncadd.s32 $0xFFFFE000  }
0x1e: {  	s23 =	sadd.s32 $0x0, s7;
	[bflag:$0x0] =	sbarrier.arrive $0xFFFF  }
0x1f: {  	[tilespmem:s15], [sflag:$0x2] =	stream.linear.gather [hbm4b:s23+s3], $0x80, $0x38;
	[tilespmem:$0x14280] =	vst v63  }
0x20: {  	_ =	swait.ge [sflag:s12], $0x80  }
0x21: {  	[sflag:s12] =	ssyncset.done $0x0  }
0x22: {  	[sflag:s12] =	ssyncadd.s32 $0xFFFFFF80  }
0x23: {  	[tilespmem:s17], [sflag:$0x1] =	stream.indirect.gather [hbm4b:s1+s16], $0x80, s15, s16, $0xb8;
	[tilespmem:$0x14280] =	vst v63  }
0x24: {  	_ =	swait.ge [sflag:s18], $0x4000  }
0x25: {  	[sflag:s18] =	ssyncset.done $0x0  }
0x26: {  	[sflag:s18] =	ssyncadd.s32 $0xFFFFC000  }
0x27: {  	[spmem:s2] =	stream.indirect.scatter.add.f32 [tilespmem:s17], [sflag:$0x2], $0x80, s11, s16, $0xb8;
	[tilespmem:$0x14280] =	vst v63  }
0x28: {  	_ =	swait.ge [sflag:s12], $0x4000  }
0x29: {  	[sflag:s12] =	ssyncset.done $0x0  }
0x2a: {  	s24 =	sadd.s32 $0x10, s23;
	[sflag:s12] =	ssyncadd.s32 $0xFFFFC000  }
0x2b: {  	[tilespmem:s15], [sflag:$0x2] =	stream.linear.gather [hbm4b:s24+s3], $0x80, $0x38;
	[tilespmem:$0x14280] =	vst v63  }
0x2c: {  	_ =	swait.ge [sflag:s12], $0x80  }
0x2d: {  	[sflag:s12] =	ssyncset.done $0x0  }
0x2e: {  	[sflag:s12] =	ssyncadd.s32 $0xFFFFFF80  }
0x2f: {  	[tilespmem:s17], [sflag:$0x1] =	stream.indirect.gather [hbm4b:s1+s16], $0x80, s15, s16, $0xb8;
	[tilespmem:$0x14280] =	vst v63  }
0x30: {  	_ =	swait.ge [sflag:s18], $0x4000  }
0x31: {  	[sflag:s18] =	ssyncset.done $0x0  }
0x32: {  	[sflag:s18] =	ssyncadd.s32 $0xFFFFC000  }
0x33: {  	[spmem:s2] =	stream.indirect.scatter.add.f32 [tilespmem:s17], [sflag:$0x2], $0x80, s19, s16, $0xb8;
	[tilespmem:$0x14280] =	vst v63  }
0x34: {  	_ =	swait.ge [sflag:s12], $0x4000  }
0x35: {  	[sflag:s12] =	ssyncset.done $0x0  }
0x36: {  	s28 =	sadd.s32 $0x20, s23;
	[sflag:s12] =	ssyncadd.s32 $0xFFFFC000  }
0x37: {  	[tilespmem:s15], [sflag:$0x2] =	stream.linear.gather [hbm4b:s28+s3], $0x80, $0x38;
	[tilespmem:$0x14280] =	vst v63  }
0x38: {  	_ =	swait.ge [sflag:s12], $0x80  }
0x39: {  	[sflag:s12] =	ssyncset.done $0x0  }
0x3a: {  	[sflag:s12] =	ssyncadd.s32 $0xFFFFFF80  }
0x3b: {  	[tilespmem:s17], [sflag:$0x1] =	stream.indirect.gather [hbm4b:s1+s16], $0x80, s15, s16, $0xb8;
	[tilespmem:$0x14280] =	vst v63  }
0x3c: {  	_ =	swait.ge [sflag:s18], $0x4000  }
0x3d: {  	[sflag:s18] =	ssyncset.done $0x0  }
0x3e: {  	[sflag:s18] =	ssyncadd.s32 $0xFFFFC000  }
0x3f: {  	[spmem:s2] =	stream.indirect.scatter.add.f32 [tilespmem:s17], [sflag:$0x2], $0x80, s20, s16, $0xb8;
	[tilespmem:$0x14280] =	vst v63  }
0x40: {  	_ =	swait.ge [sflag:s12], $0x4000  }
0x41: {  	[sflag:s12] =	ssyncset.done $0x0  }
0x42: {  	s23 =	sadd.s32 $0x30, s23;
	[sflag:s12] =	ssyncadd.s32 $0xFFFFC000  }
0x43: {  	[tilespmem:s15], [sflag:$0x2] =	stream.linear.gather [hbm4b:s23+s3], $0x80, $0x38;
	[tilespmem:$0x14280] =	vst v63  }
0x44: {  	_ =	swait.ge [sflag:s12], $0x80  }
0x45: {  	[sflag:s12] =	ssyncset.done $0x0  }
0x46: {  	[sflag:s12] =	ssyncadd.s32 $0xFFFFFF80  }
0x47: {  	[tilespmem:s17], [sflag:$0x1] =	stream.indirect.gather [hbm4b:s1+s16], $0x80, s15, s16, $0xb8;
	[tilespmem:$0x14280] =	vst v63  }
0x48: {  	_ =	swait.ge [sflag:s18], $0x4000  }
0x49: {  	[sflag:s18] =	ssyncset.done $0x0  }
0x4a: {  	[sflag:s18] =	ssyncadd.s32 $0xFFFFC000  }
0x4b: {  	[spmem:s2] =	stream.indirect.scatter.add.f32 [tilespmem:s17], [sflag:$0x2], $0x80, s21, s16, $0xb8;
	[tilespmem:$0x14280] =	vst v63  }
0x4c: {  	_ =	swait.ge [sflag:s12], $0x4000  }
0x4d: {  	[sflag:s12] =	ssyncset.done $0x0  }
0x4e: {  	s29 =	sadd.s32 $0x0, s8;
	[sflag:s12] =	ssyncadd.s32 $0xFFFFC000  }
0x4f: {  	[tilespmem:s15], [sflag:$0x2] =	stream.linear.gather [hbm4b:s29+s3], $0x80, $0x38;
	[tilespmem:$0x14280] =	vst v63  }
0x50: {  	_ =	swait.ge [sflag:s12], $0x80  }
0x51: {  	[sflag:s12] =	ssyncset.done $0x0  }
0x52: {  	[sflag:s12] =	ssyncadd.s32 $0xFFFFFF80  }
0x53: {  	[tilespmem:s17], [sflag:$0x1] =	stream.indirect.gather [hbm4b:s1+s16], $0x80, s15, s16, $0xb8;
	[tilespmem:$0x14280] =	vst v63  }
0x54: {  	_ =	swait.ge [sflag:s18], $0x4000  }
0x55: {  	[sflag:s18] =	ssyncset.done $0x0  }
0x56: {  	[sflag:s18] =	ssyncadd.s32 $0xFFFFC000  }
0x57: {  	[spmem:s2] =	stream.indirect.scatter.add.f32 [tilespmem:s17], [sflag:$0x2], $0x80, s11, s16, $0xb8;
	[tilespmem:$0x14280] =	vst v63  }
0x58: {  	_ =	swait.ge [sflag:s12], $0x4000  }
0x59: {  	[sflag:s12] =	ssyncset.done $0x0  }
0x5a: {  	s30 =	sadd.s32 $0x10, s29;
	[sflag:s12] =	ssyncadd.s32 $0xFFFFC000  }
0x5b: {  	[tilespmem:s15], [sflag:$0x2] =	stream.linear.gather [hbm4b:s30+s3], $0x80, $0x38;
	[tilespmem:$0x14280] =	vst v63  }
0x5c: {  	_ =	swait.ge [sflag:s12], $0x80  }
0x5d: {  	[sflag:s12] =	ssyncset.done $0x0  }
0x5e: {  	[sflag:s12] =	ssyncadd.s32 $0xFFFFFF80  }
0x5f: {  	[tilespmem:s17], [sflag:$0x1] =	stream.indirect.gather [hbm4b:s1+s16], $0x80, s15, s16, $0xb8;
	[tilespmem:$0x14280] =	vst v63  }
0x60: {  	_ =	swait.ge [sflag:s18], $0x4000  }
0x61: {  	[sflag:s18] =	ssyncset.done $0x0  }
0x62: {  	[sflag:s18] =	ssyncadd.s32 $0xFFFFC000  }
0x63: {  	[spmem:s2] =	stream.indirect.scatter.add.f32 [tilespmem:s17], [sflag:$0x2], $0x80, s19, s16, $0xb8;
	[tilespmem:$0x14280] =	vst v63  }
0x64: {  	_ =	swait.ge [sflag:s12], $0x4000  }
0x65: {  	[sflag:s12] =	ssyncset.done $0x0  }
0x66: {  	s31 =	sadd.s32 $0x20, s29;
	[sflag:s12] =	ssyncadd.s32 $0xFFFFC000  }
0x67: {  	[tilespmem:s15], [sflag:$0x2] =	stream.linear.gather [hbm4b:s31+s3], $0x80, $0x38;
	[tilespmem:$0x14280] =	vst v63  }
0x68: {  	_ =	swait.ge [sflag:s12], $0x80  }
0x69: {  	[sflag:s12] =	ssyncset.done $0x0  }
0x6a: {  	[sflag:s12] =	ssyncadd.s32 $0xFFFFFF80  }
0x6b: {  	[tilespmem:s17], [sflag:$0x1] =	stream.indirect.gather [hbm4b:s1+s16], $0x80, s15, s16, $0xb8;
	[tilespmem:$0x14280] =	vst v63  }
0x6c: {  	_ =	swait.ge [sflag:s18], $0x4000  }
0x6d: {  	[sflag:s18] =	ssyncset.done $0x0  }
0x6e: {  	[sflag:s18] =	ssyncadd.s32 $0xFFFFC000  }
0x6f: {  	[spmem:s2] =	stream.indirect.scatter.add.f32 [tilespmem:s17], [sflag:$0x2], $0x80, s20, s16, $0xb8;
	[tilespmem:$0x14280] =	vst v63  }
0x70: {  	_ =	swait.ge [sflag:s12], $0x4000  }
0x71: {  	[sflag:s12] =	ssyncset.done $0x0  }
0x72: {  	s23 =	sadd.s32 $0x30, s29;
	[sflag:s12] =	ssyncadd.s32 $0xFFFFC000  }
0x73: {  	[tilespmem:s15], [sflag:$0x2] =	stream.linear.gather [hbm4b:s23+s3], $0x80, $0x38;
	[tilespmem:$0x14280] =	vst v63  }
0x74: {  	_ =	swait.ge [sflag:s12], $0x80  }
0x75: {  	[sflag:s12] =	ssyncset.done $0x0  }
0x76: {  	[sflag:s12] =	ssyncadd.s32 $0xFFFFFF80  }
0x77: {  	[tilespmem:s17], [sflag:$0x1] =	stream.indirect.gather [hbm4b:s1+s16], $0x80, s15, s16, $0xb8;
	[tilespmem:$0x14280] =	vst v63  }
0x78: {  	_ =	swait.ge [sflag:s18], $0x4000  }
0x79: {  	[sflag:s18] =	ssyncset.done $0x0  }
0x7a: {  	[sflag:s18] =	ssyncadd.s32 $0xFFFFC000  }
0x7b: {  	[spmem:s2] =	stream.indirect.scatter.add.f32 [tilespmem:s17], [sflag:$0x2], $0x80, s21, s16, $0xb8;
	[tilespmem:$0x14280] =	vst v63  }
0x7c: {  	_ =	swait.ge [sflag:s12], $0x4000  }
0x7d: {  	[sflag:s12] =	ssyncset.done $0x0  }
0x7e: {  	[sflag:s12] =	ssyncadd.s32 $0xFFFFC000  }
0x7f: {  	[bflag:$0x0] =	sbarrier.arrive $0xFFFF  }
0x80: {  	[hbm:s10], [sflag:s13] =	dma.local [spmem:s14], $0x2000  }
0x81: {  	_ =	swait.ge [sflag:s12], $0x2000  }
0x82: {  	s25 =	smov.u32 s10;
	[sflag:s12] =	ssyncset.done $0x0  }
0x83: {  	s24 =	smov.u32 s9;
	s23 =	simm.s32 $0x400;
	[sflag:s12] =	ssyncadd.s32 $0xFFFFE000  }
.LBB2_2:
0x84: {  	[bflag:$0x0] =	sbarrier.arrive $0xFFFF  }
0x85: {  	s24 =	sadd.s32 $0x20000, s24;
	s25 =	sadd.s32 $0x20000, s25;
	s26 =	smov.u32 s23  }
0x86: {  	[spmem:s14], [sflag:s13] =	dma.local [hbm:s24], $0x2000  }
0x87: {  	p0 =	sne.s32 s23, $0x2400;
	s23 =	sadd.s32 $0x400, s23;
	_ =	swait.ge [sflag:s12], $0x2000  }
0x88: {  	[sflag:s12] =	ssyncset.done $0x0  }
0x89: {  	[sflag:s12] =	ssyncadd.s32 $0xFFFFE000  }
0x8a: {  	s28 =	sadd.s32 s26, s7;
	[bflag:$0x0] =	sbarrier.arrive $0xFFFF  }
0x8b: {  	[tilespmem:s15], [sflag:$0x2] =	stream.linear.gather [hbm4b:s28+s3], $0x80, $0x38;
	[tilespmem:$0x14280] =	vst v63  }
0x8c: {  	_ =	swait.ge [sflag:s12], $0x80  }
0x8d: {  	[sflag:s12] =	ssyncset.done $0x0  }
0x8e: {  	[sflag:s12] =	ssyncadd.s32 $0xFFFFFF80  }
0x8f: {  	[tilespmem:s17], [sflag:$0x1] =	stream.indirect.gather [hbm4b:s1+s16], $0x80, s15, s16, $0xb8;
	[tilespmem:$0x14280] =	vst v63  }
0x90: {  	_ =	swait.ge [sflag:s18], $0x4000  }
0x91: {  	[sflag:s18] =	ssyncset.done $0x0  }
0x92: {  	[sflag:s18] =	ssyncadd.s32 $0xFFFFC000  }
0x93: {  	[spmem:s2] =	stream.indirect.scatter.add.f32 [tilespmem:s17], [sflag:$0x2], $0x80, s11, s16, $0xb8;
	[tilespmem:$0x14280] =	vst v63  }
0x94: {  	_ =	swait.ge [sflag:s12], $0x4000  }
0x95: {  	[sflag:s12] =	ssyncset.done $0x0  }
0x96: {  	s29 =	sadd.s32 $0x10, s28;
	[sflag:s12] =	ssyncadd.s32 $0xFFFFC000  }
0x97: {  	[tilespmem:s15], [sflag:$0x2] =	stream.linear.gather [hbm4b:s29+s3], $0x80, $0x38;
	[tilespmem:$0x14280] =	vst v63  }
0x98: {  	_ =	swait.ge [sflag:s12], $0x80  }
0x99: {  	[sflag:s12] =	ssyncset.done $0x0  }
0x9a: {  	[sflag:s12] =	ssyncadd.s32 $0xFFFFFF80  }
0x9b: {  	[tilespmem:s17], [sflag:$0x1] =	stream.indirect.gather [hbm4b:s1+s16], $0x80, s15, s16, $0xb8;
	[tilespmem:$0x14280] =	vst v63  }
0x9c: {  	_ =	swait.ge [sflag:s18], $0x4000  }
0x9d: {  	[sflag:s18] =	ssyncset.done $0x0  }
0x9e: {  	[sflag:s18] =	ssyncadd.s32 $0xFFFFC000  }
0x9f: {  	[spmem:s2] =	stream.indirect.scatter.add.f32 [tilespmem:s17], [sflag:$0x2], $0x80, s19, s16, $0xb8;
	[tilespmem:$0x14280] =	vst v63  }
0xa0: {  	_ =	swait.ge [sflag:s12], $0x4000  }
0xa1: {  	[sflag:s12] =	ssyncset.done $0x0  }
0xa2: {  	s29 =	sadd.s32 $0x20, s28;
	[sflag:s12] =	ssyncadd.s32 $0xFFFFC000  }
0xa3: {  	[tilespmem:s15], [sflag:$0x2] =	stream.linear.gather [hbm4b:s29+s3], $0x80, $0x38;
	[tilespmem:$0x14280] =	vst v63  }
0xa4: {  	_ =	swait.ge [sflag:s12], $0x80  }
0xa5: {  	[sflag:s12] =	ssyncset.done $0x0  }
0xa6: {  	[sflag:s12] =	ssyncadd.s32 $0xFFFFFF80  }
0xa7: {  	[tilespmem:s17], [sflag:$0x1] =	stream.indirect.gather [hbm4b:s1+s16], $0x80, s15, s16, $0xb8;
	[tilespmem:$0x14280] =	vst v63  }
0xa8: {  	_ =	swait.ge [sflag:s18], $0x4000  }
0xa9: {  	[sflag:s18] =	ssyncset.done $0x0  }
0xaa: {  	[sflag:s18] =	ssyncadd.s32 $0xFFFFC000  }
0xab: {  	[spmem:s2] =	stream.indirect.scatter.add.f32 [tilespmem:s17], [sflag:$0x2], $0x80, s20, s16, $0xb8;
	[tilespmem:$0x14280] =	vst v63  }
0xac: {  	_ =	swait.ge [sflag:s12], $0x4000  }
0xad: {  	[sflag:s12] =	ssyncset.done $0x0  }
0xae: {  	s28 =	sadd.s32 $0x30, s28;
	[sflag:s12] =	ssyncadd.s32 $0xFFFFC000  }
0xaf: {  	[tilespmem:s15], [sflag:$0x2] =	stream.linear.gather [hbm4b:s28+s3], $0x80, $0x38;
	[tilespmem:$0x14280] =	vst v63  }
0xb0: {  	_ =	swait.ge [sflag:s12], $0x80  }
0xb1: {  	[sflag:s12] =	ssyncset.done $0x0  }
0xb2: {  	[sflag:s12] =	ssyncadd.s32 $0xFFFFFF80  }
0xb3: {  	[tilespmem:s17], [sflag:$0x1] =	stream.indirect.gather [hbm4b:s1+s16], $0x80, s15, s16, $0xb8;
	[tilespmem:$0x14280] =	vst v63  }
0xb4: {  	_ =	swait.ge [sflag:s18], $0x4000  }
0xb5: {  	[sflag:s18] =	ssyncset.done $0x0  }
0xb6: {  	[sflag:s18] =	ssyncadd.s32 $0xFFFFC000  }
0xb7: {  	[spmem:s2] =	stream.indirect.scatter.add.f32 [tilespmem:s17], [sflag:$0x2], $0x80, s21, s16, $0xb8;
	[tilespmem:$0x14280] =	vst v63  }
0xb8: {  	_ =	swait.ge [sflag:s12], $0x4000  }
0xb9: {  	[sflag:s12] =	ssyncset.done $0x0  }
0xba: {  	s26 =	sadd.s32 s26, s8;
	[sflag:s12] =	ssyncadd.s32 $0xFFFFC000  }
0xbb: {  	[tilespmem:s15], [sflag:$0x2] =	stream.linear.gather [hbm4b:s26+s3], $0x80, $0x38;
	[tilespmem:$0x14280] =	vst v63  }
0xbc: {  	_ =	swait.ge [sflag:s12], $0x80  }
0xbd: {  	[sflag:s12] =	ssyncset.done $0x0  }
0xbe: {  	[sflag:s12] =	ssyncadd.s32 $0xFFFFFF80  }
0xbf: {  	[tilespmem:s17], [sflag:$0x1] =	stream.indirect.gather [hbm4b:s1+s16], $0x80, s15, s16, $0xb8;
	[tilespmem:$0x14280] =	vst v63  }
0xc0: {  	_ =	swait.ge [sflag:s18], $0x4000  }
0xc1: {  	[sflag:s18] =	ssyncset.done $0x0  }
0xc2: {  	[sflag:s18] =	ssyncadd.s32 $0xFFFFC000  }
0xc3: {  	[spmem:s2] =	stream.indirect.scatter.add.f32 [tilespmem:s17], [sflag:$0x2], $0x80, s11, s16, $0xb8;
	[tilespmem:$0x14280] =	vst v63  }
0xc4: {  	_ =	swait.ge [sflag:s12], $0x4000  }
0xc5: {  	[sflag:s12] =	ssyncset.done $0x0  }
0xc6: {  	s28 =	sadd.s32 $0x10, s26;
	[sflag:s12] =	ssyncadd.s32 $0xFFFFC000  }
0xc7: {  	[tilespmem:s15], [sflag:$0x2] =	stream.linear.gather [hbm4b:s28+s3], $0x80, $0x38;
	[tilespmem:$0x14280] =	vst v63  }
0xc8: {  	_ =	swait.ge [sflag:s12], $0x80  }
0xc9: {  	[sflag:s12] =	ssyncset.done $0x0  }
0xca: {  	[sflag:s12] =	ssyncadd.s32 $0xFFFFFF80  }
0xcb: {  	[tilespmem:s17], [sflag:$0x1] =	stream.indirect.gather [hbm4b:s1+s16], $0x80, s15, s16, $0xb8;
	[tilespmem:$0x14280] =	vst v63  }
0xcc: {  	_ =	swait.ge [sflag:s18], $0x4000  }
0xcd: {  	[sflag:s18] =	ssyncset.done $0x0  }
0xce: {  	[sflag:s18] =	ssyncadd.s32 $0xFFFFC000  }
0xcf: {  	[spmem:s2] =	stream.indirect.scatter.add.f32 [tilespmem:s17], [sflag:$0x2], $0x80, s19, s16, $0xb8;
	[tilespmem:$0x14280] =	vst v63  }
0xd0: {  	_ =	swait.ge [sflag:s12], $0x4000  }
0xd1: {  	[sflag:s12] =	ssyncset.done $0x0  }
0xd2: {  	s28 =	sadd.s32 $0x20, s26;
	[sflag:s12] =	ssyncadd.s32 $0xFFFFC000  }
0xd3: {  	[tilespmem:s15], [sflag:$0x2] =	stream.linear.gather [hbm4b:s28+s3], $0x80, $0x38;
	[tilespmem:$0x14280] =	vst v63  }
0xd4: {  	_ =	swait.ge [sflag:s12], $0x80  }
0xd5: {  	[sflag:s12] =	ssyncset.done $0x0  }
0xd6: {  	[sflag:s12] =	ssyncadd.s32 $0xFFFFFF80  }
0xd7: {  	[tilespmem:s17], [sflag:$0x1] =	stream.indirect.gather [hbm4b:s1+s16], $0x80, s15, s16, $0xb8;
	[tilespmem:$0x14280] =	vst v63  }
0xd8: {  	_ =	swait.ge [sflag:s18], $0x4000  }
0xd9: {  	[sflag:s18] =	ssyncset.done $0x0  }
0xda: {  	[sflag:s18] =	ssyncadd.s32 $0xFFFFC000  }
0xdb: {  	[spmem:s2] =	stream.indirect.scatter.add.f32 [tilespmem:s17], [sflag:$0x2], $0x80, s20, s16, $0xb8;
	[tilespmem:$0x14280] =	vst v63  }
0xdc: {  	_ =	swait.ge [sflag:s12], $0x4000  }
0xdd: {  	[sflag:s12] =	ssyncset.done $0x0  }
0xde: {  	s26 =	sadd.s32 $0x30, s26;
	[sflag:s12] =	ssyncadd.s32 $0xFFFFC000  }
0xdf: {  	[tilespmem:s15], [sflag:$0x2] =	stream.linear.gather [hbm4b:s26+s3], $0x80, $0x38;
	[tilespmem:$0x14280] =	vst v63  }
0xe0: {  	_ =	swait.ge [sflag:s12], $0x80  }
0xe1: {  	[sflag:s12] =	ssyncset.done $0x0  }
0xe2: {  	[sflag:s12] =	ssyncadd.s32 $0xFFFFFF80  }
0xe3: {  	[tilespmem:s17], [sflag:$0x1] =	stream.indirect.gather [hbm4b:s1+s16], $0x80, s15, s16, $0xb8;
	[tilespmem:$0x14280] =	vst v63  }
0xe4: {  	_ =	swait.ge [sflag:s18], $0x4000  }
0xe5: {  	[sflag:s18] =	ssyncset.done $0x0  }
0xe6: {  	[sflag:s18] =	ssyncadd.s32 $0xFFFFC000  }
0xe7: {  	[spmem:s2] =	stream.indirect.scatter.add.f32 [tilespmem:s17], [sflag:$0x2], $0x80, s21, s16, $0xb8;
	[tilespmem:$0x14280] =	vst v63  }
0xe8: {  	_ =	swait.ge [sflag:s12], $0x4000  }
0xe9: {  	[sflag:s12] =	ssyncset.done $0x0  }
0xea: {  	[sflag:s12] =	ssyncadd.s32 $0xFFFFC000  }
.Ltmp0:
0xeb: {  	[bflag:$0x0] =	sbarrier.arrive $0xFFFF;
	(pc) =	sbr.rel @p0 .LBB2_2-.Ltmp0, $4  }
0xec: {  	[hbm:s25], [sflag:s13] =	dma.local [spmem:s14], $0x2000  }
0xed: {  	_ =	swait.ge [sflag:s12], $0x2000  }
0xee: {  	[sflag:s12] =	ssyncset.done $0x0  }
0xef: {  	[sflag:s12] =	ssyncadd.s32 $0xFFFFE000  }
0xf0: {  	s22 =	sadd.s32 $0x1, s22  }
0xf1: {  	p0 =	sne.s32 s22, s6  }
.Ltmp1:
0xf2: {  	_ = 	snop;
	(pc) =	sbr.rel @p0 .LBB2_1-.Ltmp1, $2  }
0xf3: {  	_ =	sdelay $0x1  }
0xf4: {  	[bflag:$0x0] =	sbarrier.arrive $0xFFFF;
	_ =	sdelay $0x1  }
0xf5: {  	_ =	sfence.sel $0x180000  }
0xf6: {  	[bflag:$0x0] =	sbarrier.arrive $0xFFFF  }
0xf7: {  	p0 =	sne.s32 s4, $0x0;
	_ =	strace $0x90000047  }
0xf8: {  	s0 =	sadd.s32 @!p0 $0x100000, s0;
	[bflag:$0x2] =	sbarrier.arrive $0xFFFF  }
0xf9: {  	[sflag:s0] =	ssyncadd.tile.s32 @!p0 $0x1;
	_ =	shalt  }
.Lfunc_end2:
_tile_overlayer_lowered:
.L_overlay_start_2:
0xfa: {  	(tag) =	ssettag $0x2  }
0xfb: {  	s0 =	rddreg [dreg:$0x0];
	s2 =	stileid.u32  }
0xfc: {  	s1 =	rddreg [dreg:$0x1];
	p0 =	sne.s32 s2, $0x0  }
0xfd: {  	s3 =	rddreg [dreg:$0x2];
	[bflag:$0x3] =	sbarrier.arrive $0xFFFF;
	s2 =	simm.s32 @!p0 $0x1C02  }
0xfe: {  	[timem:s3], [sflag:s2] =	dma.local @!p0 [hbm:s0], s1  }
0xff: {  	s0 =	simm.s32 @!p0 $0x2  }
0x100: {  	_ =	swait.ge @!p0 [sflag:s0], s1  }
0x101: {  	s1 =	ssub.s32 @!p0 $0x0, s1;
	[sflag:s0] =	ssyncset.done @!p0 $0x0  }
0x102: {  	[sflag:s0] =	ssyncadd.s32 @!p0 s1  }
0x103: {  	[bflag:$0x3] =	sbarrier.arrive $0xFFFF  }
0x104: {  	_ =	shalt  }

</sc_bundles>
